<compile_context>
chip_gen: v7x
topology: tpu7x:2x2x1
jax: 0.10.2.dev20260603
libtpu: 0.0.44.dev20260713+nightly
codegen_flags: <defaults>
</compile_context>

<pallas_src>
import functools

import jax
import jax.numpy as jnp
from jax import lax
from jax.experimental import pallas as pl
from jax.experimental.pallas import tpu as pltpu
from jax.experimental.pallas import tpu_sc as plsc

VOCAB = 100000
EMBED = 16
BATCH = 1024
CTX = 20

_NC, _NS = 2, 16
_NW = _NC * _NS
_ROWS_W = BATCH // _NW
_IDX_W = _ROWS_W * CTX
_CHUNK = 128
_NCHUNK = _IDX_W // _CHUNK


def _sc_gather_sum_body(idx_hbm, table_hbm, out_hbm, idx_v, rows_v, out_v, sem):
    wid = lax.axis_index("s") * _NC + lax.axis_index("c")
    pltpu.sync_copy(idx_hbm.at[pl.ds(wid * _IDX_W, _IDX_W)], idx_v)
    copies = [
        pltpu.async_copy(
            table_hbm.at[idx_v.at[pl.ds(c * _CHUNK, _CHUNK)]],
            rows_v.at[pl.ds(c * _CHUNK, _CHUNK)],
            sem,
        )
        for c in range(_NCHUNK)
    ]
    for cp in copies:
        cp.wait()

    def body(r, carry):
        acc = rows_v[r * CTX, pl.ds(0, EMBED)]
        for c in range(1, CTX):
            acc = acc + rows_v[r * CTX + c, pl.ds(0, EMBED)]
        out_v[r, :] = acc
        return carry

    lax.fori_loop(0, _ROWS_W, body, 0)
    pltpu.sync_copy(out_v, out_hbm.at[pl.ds(wid * _ROWS_W, _ROWS_W)])


@functools.lru_cache(maxsize=None)
def _make_sc_gather_sum():
    return pl.kernel(
        _sc_gather_sum_body,
        out_type=jax.ShapeDtypeStruct((BATCH, EMBED), jnp.float32),
        mesh=plsc.VectorSubcoreMesh(core_axis_name="c", subcore_axis_name="s"),
        scratch_types=[
            pltpu.VMEM((_IDX_W,), jnp.int32),
            pltpu.VMEM((_IDX_W, 128), jnp.float32),
            pltpu.VMEM((_ROWS_W, EMBED), jnp.float32),
            pltpu.SemaphoreType.DMA,
        ],
        compiler_params=pltpu.CompilerParams(use_tc_tiling_on_sc=False),
    )


_VB = 4096
_NV = (VOCAB + _VB - 1) // _VB
_VPAD = _NV * _VB
_K = EMBED + 1

_DN_T = (((0,), (1,)), ((), ()))


_NCH = 4
_CB = BATCH // _NCH


def _fused_body(wt_ref, emb_cur_ref, emb_prev_ref, out_ref, m_sc, s_sc, z_sc):
    q = pl.program_id(0)
    j = pl.program_id(1)

    @pl.when(q >= 1)
    def _():
        logits = lax.dot_general(
            wt_ref[...], emb_prev_ref[...], _DN_T,
            preferred_element_type=jnp.float32,
        )
        out_ref[...] = logits - z_sc[...]

    @pl.when(q < _NCH)
    def _():
        @pl.when(j == 0)
        def _():
            m_sc[...] = jnp.full_like(m_sc, -jnp.inf)
            s_sc[...] = jnp.zeros_like(s_sc)

        logits = lax.dot_general(
            wt_ref[...], emb_cur_ref[...], _DN_T,
            preferred_element_type=jnp.float32,
        )
        m_old = m_sc[...]
        m_new = jnp.maximum(m_old, jnp.max(logits, axis=0, keepdims=True))
        s_new = s_sc[...] * jnp.exp(m_old - m_new) + jnp.sum(
            jnp.exp(logits - m_new), axis=0, keepdims=True
        )
        m_sc[...] = m_new
        s_sc[...] = s_new

        @pl.when(j == _NV - 1)
        def _():
            z_sc[...] = m_new + jnp.log(s_new)


def _tc_logsoftmax_t(wt_ext, emb_ext, interpret=False):
    out_t = pl.pallas_call(
        _fused_body,
        grid=(_NCH + 1, _NV),
        in_specs=[
            pl.BlockSpec((_K, _VB), lambda q, j: (0, j)),
            pl.BlockSpec((_CB, _K), lambda q, j: (jnp.minimum(q, _NCH - 1), 0)),
            pl.BlockSpec((_CB, _K), lambda q, j: (jnp.maximum(q - 1, 0), 0)),
        ],
        out_specs=pl.BlockSpec(
            (_VB, _CB),
            lambda q, j: (jnp.where(q >= 1, j, 0), jnp.maximum(q - 1, 0)),
        ),
        out_shape=jax.ShapeDtypeStruct((VOCAB, BATCH), jnp.float32),
        scratch_shapes=[
            pltpu.VMEM((1, _CB), jnp.float32),
            pltpu.VMEM((1, _CB), jnp.float32),
            pltpu.VMEM((1, _CB), jnp.float32),
        ],
        interpret=interpret,
    )(wt_ext, emb_ext, emb_ext)
    return out_t


def kernel(inputs, emb_table, W, b):
    idx = inputs.reshape(BATCH * CTX).astype(jnp.int32)
    table_pad = jnp.pad(emb_table, ((0, 0), (0, 128 - EMBED)))
    embeds = _make_sc_gather_sum()(idx, table_pad)
    wt_pad = jnp.pad(W.T.astype(jnp.bfloat16), ((0, 0), (0, _VPAD - VOCAB)))
    b_pad = jnp.pad(
        b.astype(jnp.bfloat16).reshape(1, VOCAB),
        ((0, 0), (0, _VPAD - VOCAB)),
        constant_values=jnp.bfloat16(-1e30),
    )
    wt_ext = jnp.concatenate([wt_pad, b_pad], axis=0)
    emb_ext = jnp.concatenate(
        [embeds.astype(jnp.bfloat16), jnp.ones((BATCH, 1), jnp.bfloat16)],
        axis=1,
    )
    out_t = _tc_logsoftmax_t(wt_ext, emb_ext)
    return out_t.T

# --- scband reference (transcript-rebuilt; emitter-appended) ---
"""Pipeline reference for scband-cbow-model-19018115187038 (READ-ONLY COPY).

The authoritative reference and input builder live on the scoring server;
editing this copy changes nothing except your own understanding.
"""

import jax, jax.numpy as jnp
import numpy as np

VOCAB = 100000
EMBED = 16
BATCH = 1024
CTX = 20

def setup_inputs(seed: int = 0) -> dict:
    key = jax.random.key(seed)
    k1, k2, k3, k4 = jax.random.split(key, 4)
    inputs = jax.random.randint(k1, (BATCH, CTX), 0, VOCAB, dtype=jnp.int64 if jax.config.jax_enable_x64 else jnp.int32)
    emb_table = jax.random.normal(k2, (VOCAB, EMBED), dtype=jnp.float32) * 0.02
    # nn.Linear(in=EMBED, out=VOCAB): weight [VOCAB, EMBED], bias [VOCAB]
    W = jax.random.normal(k3, (VOCAB, EMBED), dtype=jnp.float32) * (1.0 / np.sqrt(EMBED))
    b = jax.random.normal(k4, (VOCAB,), dtype=jnp.float32) * 0.01
    return {"inputs": inputs, "emb_table": emb_table, "W": W, "b": b}

def reference(inputs, emb_table, W, b):
    # embedding gather: [B, CTX, EMBED]
    embeds = jnp.take(emb_table, inputs, axis=0)
    # CBOW sum over context window -> [B, EMBED]
    embeds = jnp.sum(embeds, axis=1)
    # output projection -> [B, VOCAB]
    out = embeds @ W.T + b
    log_probs = jax.nn.log_softmax(out, axis=1)
    return log_probs

if __name__ == "__main__":
    import jax
    _d = setup_inputs()
    print(jax.jit(kernel)(*tuple(_d.values())))

</pallas_src>

<mosaic_0001>
#map = affine_map<(d0, d1) -> (0)>
#map1 = affine_map<(d0, d1) -> (0, 0)>
module attributes {stable_mosaic.version = 14 : i64} {
  func.func @_sc_gather_sum_body(%arg0: i32, %arg1: i32, %arg2: memref<20480xi32, #tpu.memory_space<hbm>>, %arg3: memref<100000x128xf32, #tpu.memory_space<hbm>>, %arg4: memref<1024x16xf32, #tpu.memory_space<hbm>>, %arg5: memref<640xi32, #tpu.memory_space<vmem>>, %arg6: memref<640x128xf32, #tpu.memory_space<vmem>>, %arg7: memref<32x16xf32, #tpu.memory_space<vmem>>, %arg8: memref<!tpu.dma_semaphore, #tpu.memory_space<semaphore_mem>>) attributes {dimension_semantics = [#tpu.dimension_semantics<core_parallel>, #tpu.dimension_semantics<subcore_parallel>], iteration_bounds = array<i64: 2, 16>, scalar_prefetch = 0 : i64, scratch_operands = 4 : i64, tpu.core_type = #tpu.core_type<sc_vector_subcore>, window_params = [{transform_indices = #map}, {transform_indices = #map1}, {transform_indices = #map1}]} {
    %mul3A = arith.constant 2 : i32
    %mul3A_0 = arith.muli %arg1, %mul3A : i32
    %add3A = arith.addi %mul3A_0, %arg0 : i32
    %mul3A_1 = arith.constant 640 : i32
    %mul3A_2 = arith.muli %add3A, %mul3A_1 : i32
    "tpu.region"() ({
      %run_scoped3A = tpu.sem_alloc : memref<!tpu.dma_semaphore, #tpu.memory_space<semaphore_mem>>
      %dma_start3A_88 = tpu.memref_slice %arg2[%mul3A_2] : memref<20480xi32, #tpu.memory_space<hbm>> -> memref<640xi32, #tpu.memory_space<hbm>>
      %dma_start3A_89 = tpu.memref_slice %arg2[%mul3A_2] : memref<20480xi32, #tpu.memory_space<hbm>> -> memref<640xi32, #tpu.memory_space<hbm>>
      tpu.enqueue_dma source(%dma_start3A_89 : memref<640xi32, #tpu.memory_space<hbm>>) target(%arg5 : memref<640xi32, #tpu.memory_space<vmem>>) target_semaphore(%run_scoped3A : memref<!tpu.dma_semaphore, #tpu.memory_space<semaphore_mem>>)
      %dma_wait3A_90 = tpu.memref_slice %arg2[%mul3A_2] : memref<20480xi32, #tpu.memory_space<hbm>> -> memref<640xi32, #tpu.memory_space<hbm>>
      %dma_wait3A_91 = tpu.memref_slice %arg2[%mul3A_2] : memref<20480xi32, #tpu.memory_space<hbm>> -> memref<640xi32, #tpu.memory_space<hbm>>
      tpu.wait_dma2 semaphore(%run_scoped3A : memref<!tpu.dma_semaphore, #tpu.memory_space<semaphore_mem>>) src(%dma_wait3A_91 : memref<640xi32, #tpu.memory_space<hbm>>) dst(%arg5 : memref<640xi32, #tpu.memory_space<vmem>>)
      tpu.yield
    }) : () -> ()
    %dma_start3A = arith.constant 0 : i32
    %dma_start3A_3 = arith.constant 0 : i32
    %dma_start3A_4 = tpu.memref_slice %arg6[%dma_start3A, %dma_start3A_3] : memref<640x128xf32, #tpu.memory_space<vmem>> -> memref<128x128xf32, #tpu.memory_space<vmem>>
    %dma_start3A_5 = arith.constant 0 : i32
    %dma_start3A_6 = tpu.memref_slice %arg5[%dma_start3A_5] : memref<640xi32, #tpu.memory_space<vmem>> -> memref<128xi32, #tpu.memory_space<vmem>>
    %dma_start3A_7 = arith.constant 0 : i32
    %dma_start3A_8 = arith.constant 0 : i32
    %dma_start3A_9 = tpu.memref_slice %arg3[%dma_start3A_7, %dma_start3A_8] : memref<100000x128xf32, #tpu.memory_space<hbm>> -> memref<100000x128xf32, #tpu.memory_space<hbm>>
    tpu.enqueue_indirect_dma source(%dma_start3A_9 : memref<100000x128xf32, #tpu.memory_space<hbm>>) target(%dma_start3A_4 : memref<128x128xf32, #tpu.memory_space<vmem>>) offsets(%dma_start3A_6 : memref<128xi32, #tpu.memory_space<vmem>>) semaphore(%arg8 : memref<!tpu.dma_semaphore, #tpu.memory_space<semaphore_mem>>)
    %dma_start3A_10 = arith.constant 128 : i32
    %dma_start3A_11 = arith.constant 0 : i32
    %dma_start3A_12 = tpu.memref_slice %arg6[%dma_start3A_10, %dma_start3A_11] : memref<640x128xf32, #tpu.memory_space<vmem>> -> memref<128x128xf32, #tpu.memory_space<vmem>>
    %dma_start3A_13 = arith.constant 128 : i32
    %dma_start3A_14 = tpu.memref_slice %arg5[%dma_start3A_13] : memref<640xi32, #tpu.memory_space<vmem>> -> memref<128xi32, #tpu.memory_space<vmem>>
    %dma_start3A_15 = arith.constant 0 : i32
    %dma_start3A_16 = arith.constant 0 : i32
    %dma_start3A_17 = tpu.memref_slice %arg3[%dma_start3A_15, %dma_start3A_16] : memref<100000x128xf32, #tpu.memory_space<hbm>> -> memref<100000x128xf32, #tpu.memory_space<hbm>>
    tpu.enqueue_indirect_dma source(%dma_start3A_17 : memref<100000x128xf32, #tpu.memory_space<hbm>>) target(%dma_start3A_12 : memref<128x128xf32, #tpu.memory_space<vmem>>) offsets(%dma_start3A_14 : memref<128xi32, #tpu.memory_space<vmem>>) semaphore(%arg8 : memref<!tpu.dma_semaphore, #tpu.memory_space<semaphore_mem>>)
    %dma_start3A_18 = arith.constant 256 : i32
    %dma_start3A_19 = arith.constant 0 : i32
    %dma_start3A_20 = tpu.memref_slice %arg6[%dma_start3A_18, %dma_start3A_19] : memref<640x128xf32, #tpu.memory_space<vmem>> -> memref<128x128xf32, #tpu.memory_space<vmem>>
    %dma_start3A_21 = arith.constant 256 : i32
    %dma_start3A_22 = tpu.memref_slice %arg5[%dma_start3A_21] : memref<640xi32, #tpu.memory_space<vmem>> -> memref<128xi32, #tpu.memory_space<vmem>>
    %dma_start3A_23 = arith.constant 0 : i32
    %dma_start3A_24 = arith.constant 0 : i32
    %dma_start3A_25 = tpu.memref_slice %arg3[%dma_start3A_23, %dma_start3A_24] : memref<100000x128xf32, #tpu.memory_space<hbm>> -> memref<100000x128xf32, #tpu.memory_space<hbm>>
    tpu.enqueue_indirect_dma source(%dma_start3A_25 : memref<100000x128xf32, #tpu.memory_space<hbm>>) target(%dma_start3A_20 : memref<128x128xf32, #tpu.memory_space<vmem>>) offsets(%dma_start3A_22 : memref<128xi32, #tpu.memory_space<vmem>>) semaphore(%arg8 : memref<!tpu.dma_semaphore, #tpu.memory_space<semaphore_mem>>)
    %dma_start3A_26 = arith.constant 384 : i32
    %dma_start3A_27 = arith.constant 0 : i32
    %dma_start3A_28 = tpu.memref_slice %arg6[%dma_start3A_26, %dma_start3A_27] : memref<640x128xf32, #tpu.memory_space<vmem>> -> memref<128x128xf32, #tpu.memory_space<vmem>>
    %dma_start3A_29 = arith.constant 384 : i32
    %dma_start3A_30 = tpu.memref_slice %arg5[%dma_start3A_29] : memref<640xi32, #tpu.memory_space<vmem>> -> memref<128xi32, #tpu.memory_space<vmem>>
    %dma_start3A_31 = arith.constant 0 : i32
    %dma_start3A_32 = arith.constant 0 : i32
    %dma_start3A_33 = tpu.memref_slice %arg3[%dma_start3A_31, %dma_start3A_32] : memref<100000x128xf32, #tpu.memory_space<hbm>> -> memref<100000x128xf32, #tpu.memory_space<hbm>>
    tpu.enqueue_indirect_dma source(%dma_start3A_33 : memref<100000x128xf32, #tpu.memory_space<hbm>>) target(%dma_start3A_28 : memref<128x128xf32, #tpu.memory_space<vmem>>) offsets(%dma_start3A_30 : memref<128xi32, #tpu.memory_space<vmem>>) semaphore(%arg8 : memref<!tpu.dma_semaphore, #tpu.memory_space<semaphore_mem>>)
    %dma_start3A_34 = arith.constant 512 : i32
    %dma_start3A_35 = arith.constant 0 : i32
    %dma_start3A_36 = tpu.memref_slice %arg6[%dma_start3A_34, %dma_start3A_35] : memref<640x128xf32, #tpu.memory_space<vmem>> -> memref<128x128xf32, #tpu.memory_space<vmem>>
    %dma_start3A_37 = arith.constant 512 : i32
    %dma_start3A_38 = tpu.memref_slice %arg5[%dma_start3A_37] : memref<640xi32, #tpu.memory_space<vmem>> -> memref<128xi32, #tpu.memory_space<vmem>>
    %dma_start3A_39 = arith.constant 0 : i32
    %dma_start3A_40 = arith.constant 0 : i32
    %dma_start3A_41 = tpu.memref_slice %arg3[%dma_start3A_39, %dma_start3A_40] : memref<100000x128xf32, #tpu.memory_space<hbm>> -> memref<100000x128xf32, #tpu.memory_space<hbm>>
    tpu.enqueue_indirect_dma source(%dma_start3A_41 : memref<100000x128xf32, #tpu.memory_space<hbm>>) target(%dma_start3A_36 : memref<128x128xf32, #tpu.memory_space<vmem>>) offsets(%dma_start3A_38 : memref<128xi32, #tpu.memory_space<vmem>>) semaphore(%arg8 : memref<!tpu.dma_semaphore, #tpu.memory_space<semaphore_mem>>)
    %dma_wait3A = arith.constant 0 : i32
    %dma_wait3A_42 = arith.constant 0 : i32
    %dma_wait3A_43 = tpu.memref_slice %arg6[%dma_wait3A, %dma_wait3A_42] : memref<640x128xf32, #tpu.memory_space<vmem>> -> memref<128x128xf32, #tpu.memory_space<vmem>>
    %dma_wait3A_44 = arith.constant 0 : i32
    %dma_wait3A_45 = tpu.memref_slice %arg5[%dma_wait3A_44] : memref<640xi32, #tpu.memory_space<vmem>> -> memref<128xi32, #tpu.memory_space<vmem>>
    %dma_wait3A_46 = arith.constant 0 : i32
    %dma_wait3A_47 = arith.constant 0 : i32
    %dma_wait3A_48 = tpu.memref_slice %arg3[%dma_wait3A_46, %dma_wait3A_47] : memref<100000x128xf32, #tpu.memory_space<hbm>> -> memref<100000x128xf32, #tpu.memory_space<hbm>>
    tpu.wait_indirect_dma semaphore(%arg8 : memref<!tpu.dma_semaphore, #tpu.memory_space<semaphore_mem>>) src(%dma_wait3A_48 : memref<100000x128xf32, #tpu.memory_space<hbm>>) dst(%dma_wait3A_43 : memref<128x128xf32, #tpu.memory_space<vmem>>)
    %dma_wait3A_49 = arith.constant 128 : i32
    %dma_wait3A_50 = arith.constant 0 : i32
    %dma_wait3A_51 = tpu.memref_slice %arg6[%dma_wait3A_49, %dma_wait3A_50] : memref<640x128xf32, #tpu.memory_space<vmem>> -> memref<128x128xf32, #tpu.memory_space<vmem>>
    %dma_wait3A_52 = arith.constant 128 : i32
    %dma_wait3A_53 = tpu.memref_slice %arg5[%dma_wait3A_52] : memref<640xi32, #tpu.memory_space<vmem>> -> memref<128xi32, #tpu.memory_space<vmem>>
    %dma_wait3A_54 = arith.constant 0 : i32
    %dma_wait3A_55 = arith.constant 0 : i32
    %dma_wait3A_56 = tpu.memref_slice %arg3[%dma_wait3A_54, %dma_wait3A_55] : memref<100000x128xf32, #tpu.memory_space<hbm>> -> memref<100000x128xf32, #tpu.memory_space<hbm>>
    tpu.wait_indirect_dma semaphore(%arg8 : memref<!tpu.dma_semaphore, #tpu.memory_space<semaphore_mem>>) src(%dma_wait3A_56 : memref<100000x128xf32, #tpu.memory_space<hbm>>) dst(%dma_wait3A_51 : memref<128x128xf32, #tpu.memory_space<vmem>>)
    %dma_wait3A_57 = arith.constant 256 : i32
    %dma_wait3A_58 = arith.constant 0 : i32
    %dma_wait3A_59 = tpu.memref_slice %arg6[%dma_wait3A_57, %dma_wait3A_58] : memref<640x128xf32, #tpu.memory_space<vmem>> -> memref<128x128xf32, #tpu.memory_space<vmem>>
    %dma_wait3A_60 = arith.constant 256 : i32
    %dma_wait3A_61 = tpu.memref_slice %arg5[%dma_wait3A_60] : memref<640xi32, #tpu.memory_space<vmem>> -> memref<128xi32, #tpu.memory_space<vmem>>
    %dma_wait3A_62 = arith.constant 0 : i32
    %dma_wait3A_63 = arith.constant 0 : i32
    %dma_wait3A_64 = tpu.memref_slice %arg3[%dma_wait3A_62, %dma_wait3A_63] : memref<100000x128xf32, #tpu.memory_space<hbm>> -> memref<100000x128xf32, #tpu.memory_space<hbm>>
    tpu.wait_indirect_dma semaphore(%arg8 : memref<!tpu.dma_semaphore, #tpu.memory_space<semaphore_mem>>) src(%dma_wait3A_64 : memref<100000x128xf32, #tpu.memory_space<hbm>>) dst(%dma_wait3A_59 : memref<128x128xf32, #tpu.memory_space<vmem>>)
    %dma_wait3A_65 = arith.constant 384 : i32
    %dma_wait3A_66 = arith.constant 0 : i32
    %dma_wait3A_67 = tpu.memref_slice %arg6[%dma_wait3A_65, %dma_wait3A_66] : memref<640x128xf32, #tpu.memory_space<vmem>> -> memref<128x128xf32, #tpu.memory_space<vmem>>
    %dma_wait3A_68 = arith.constant 384 : i32
    %dma_wait3A_69 = tpu.memref_slice %arg5[%dma_wait3A_68] : memref<640xi32, #tpu.memory_space<vmem>> -> memref<128xi32, #tpu.memory_space<vmem>>
    %dma_wait3A_70 = arith.constant 0 : i32
    %dma_wait3A_71 = arith.constant 0 : i32
    %dma_wait3A_72 = tpu.memref_slice %arg3[%dma_wait3A_70, %dma_wait3A_71] : memref<100000x128xf32, #tpu.memory_space<hbm>> -> memref<100000x128xf32, #tpu.memory_space<hbm>>
    tpu.wait_indirect_dma semaphore(%arg8 : memref<!tpu.dma_semaphore, #tpu.memory_space<semaphore_mem>>) src(%dma_wait3A_72 : memref<100000x128xf32, #tpu.memory_space<hbm>>) dst(%dma_wait3A_67 : memref<128x128xf32, #tpu.memory_space<vmem>>)
    %dma_wait3A_73 = arith.constant 512 : i32
    %dma_wait3A_74 = arith.constant 0 : i32
    %dma_wait3A_75 = tpu.memref_slice %arg6[%dma_wait3A_73, %dma_wait3A_74] : memref<640x128xf32, #tpu.memory_space<vmem>> -> memref<128x128xf32, #tpu.memory_space<vmem>>
    %dma_wait3A_76 = arith.constant 512 : i32
    %dma_wait3A_77 = tpu.memref_slice %arg5[%dma_wait3A_76] : memref<640xi32, #tpu.memory_space<vmem>> -> memref<128xi32, #tpu.memory_space<vmem>>
    %dma_wait3A_78 = arith.constant 0 : i32
    %dma_wait3A_79 = arith.constant 0 : i32
    %dma_wait3A_80 = tpu.memref_slice %arg3[%dma_wait3A_78, %dma_wait3A_79] : memref<100000x128xf32, #tpu.memory_space<hbm>> -> memref<100000x128xf32, #tpu.memory_space<hbm>>
    tpu.wait_indirect_dma semaphore(%arg8 : memref<!tpu.dma_semaphore, #tpu.memory_space<semaphore_mem>>) src(%dma_wait3A_80 : memref<100000x128xf32, #tpu.memory_space<hbm>>) dst(%dma_wait3A_75 : memref<128x128xf32, #tpu.memory_space<vmem>>)
    %scan3A = arith.constant 0 : i32
    %scan3A_81 = arith.constant 0 : i32
    %scan3A_82 = arith.constant 32 : i32
    %scan3A_83 = arith.addi %scan3A_81, %scan3A_82 : i32
    %scan3A_84 = arith.constant 1 : i32
    scf.for %scan3A_88 = %scan3A_81 to %scan3A_83 step %scan3A_84  : i32 {
      %mul3A_89 = arith.constant 20 : i32
      %mul3A_90 = arith.muli %scan3A_88, %mul3A_89 : i32
      %get3A = arith.index_cast %mul3A_90 : i32 to index
      %get3A_91 = arith.constant 0 : index
      %get3A_92 = tpu.vector_load %arg6[%get3A, %get3A_91] {strides = array<i32>} : memref<640x128xf32, #tpu.memory_space<vmem>>, vector<1x16xf32>,
      %get3A_93 = vector.shape_cast %get3A_92 : vector<1x16xf32> to vector<16xf32>
      %mul3A_94 = arith.constant 20 : i32
      %mul3A_95 = arith.muli %scan3A_88, %mul3A_94 : i32
      %add3A_96 = arith.constant 1 : i32
      %add3A_97 = arith.addi %mul3A_95, %add3A_96 : i32
      %get3A_98 = arith.index_cast %add3A_97 : i32 to index
      %get3A_99 = arith.constant 0 : index
      %get3A_100 = tpu.vector_load %arg6[%get3A_98, %get3A_99] {strides = array<i32>} : memref<640x128xf32, #tpu.memory_space<vmem>>, vector<1x16xf32>,
      %get3A_101 = vector.shape_cast %get3A_100 : vector<1x16xf32> to vector<16xf32>
      %add3A_102 = arith.addf %get3A_93, %get3A_101 : vector<16xf32>
      %mul3A_103 = arith.constant 20 : i32
      %mul3A_104 = arith.muli %scan3A_88, %mul3A_103 : i32
      %add3A_105 = arith.constant 2 : i32
      %add3A_106 = arith.addi %mul3A_104, %add3A_105 : i32
      %get3A_107 = arith.index_cast %add3A_106 : i32 to index
      %get3A_108 = arith.constant 0 : index
      %get3A_109 = tpu.vector_load %arg6[%get3A_107, %get3A_108] {strides = array<i32>} : memref<640x128xf32, #tpu.memory_space<vmem>>, vector<1x16xf32>,
      %get3A_110 = vector.shape_cast %get3A_109 : vector<1x16xf32> to vector<16xf32>
      %add3A_111 = arith.addf %add3A_102, %get3A_110 : vector<16xf32>
      %mul3A_112 = arith.constant 20 : i32
      %mul3A_113 = arith.muli %scan3A_88, %mul3A_112 : i32
      %add3A_114 = arith.constant 3 : i32
      %add3A_115 = arith.addi %mul3A_113, %add3A_114 : i32
      %get3A_116 = arith.index_cast %add3A_115 : i32 to index
      %get3A_117 = arith.constant 0 : index
      %get3A_118 = tpu.vector_load %arg6[%get3A_116, %get3A_117] {strides = array<i32>} : memref<640x128xf32, #tpu.memory_space<vmem>>, vector<1x16xf32>,
      %get3A_119 = vector.shape_cast %get3A_118 : vector<1x16xf32> to vector<16xf32>
      %add3A_120 = arith.addf %add3A_111, %get3A_119 : vector<16xf32>
      %mul3A_121 = arith.constant 20 : i32
      %mul3A_122 = arith.muli %scan3A_88, %mul3A_121 : i32
      %add3A_123 = arith.constant 4 : i32
      %add3A_124 = arith.addi %mul3A_122, %add3A_123 : i32
      %get3A_125 = arith.index_cast %add3A_124 : i32 to index
      %get3A_126 = arith.constant 0 : index
      %get3A_127 = tpu.vector_load %arg6[%get3A_125, %get3A_126] {strides = array<i32>} : memref<640x128xf32, #tpu.memory_space<vmem>>, vector<1x16xf32>,
      %get3A_128 = vector.shape_cast %get3A_127 : vector<1x16xf32> to vector<16xf32>
      %add3A_129 = arith.addf %add3A_120, %get3A_128 : vector<16xf32>
      %mul3A_130 = arith.constant 20 : i32
      %mul3A_131 = arith.muli %scan3A_88, %mul3A_130 : i32
      %add3A_132 = arith.constant 5 : i32
      %add3A_133 = arith.addi %mul3A_131, %add3A_132 : i32
      %get3A_134 = arith.index_cast %add3A_133 : i32 to index
      %get3A_135 = arith.constant 0 : index
      %get3A_136 = tpu.vector_load %arg6[%get3A_134, %get3A_135] {strides = array<i32>} : memref<640x128xf32, #tpu.memory_space<vmem>>, vector<1x16xf32>,
      %get3A_137 = vector.shape_cast %get3A_136 : vector<1x16xf32> to vector<16xf32>
      %add3A_138 = arith.addf %add3A_129, %get3A_137 : vector<16xf32>
      %mul3A_139 = arith.constant 20 : i32
      %mul3A_140 = arith.muli %scan3A_88, %mul3A_139 : i32
      %add3A_141 = arith.constant 6 : i32
      %add3A_142 = arith.addi %mul3A_140, %add3A_141 : i32
      %get3A_143 = arith.index_cast %add3A_142 : i32 to index
      %get3A_144 = arith.constant 0 : index
      %get3A_145 = tpu.vector_load %arg6[%get3A_143, %get3A_144] {strides = array<i32>} : memref<640x128xf32, #tpu.memory_space<vmem>>, vector<1x16xf32>,
      %get3A_146 = vector.shape_cast %get3A_145 : vector<1x16xf32> to vector<16xf32>
      %add3A_147 = arith.addf %add3A_138, %get3A_146 : vector<16xf32>
      %mul3A_148 = arith.constant 20 : i32
      %mul3A_149 = arith.muli %scan3A_88, %mul3A_148 : i32
      %add3A_150 = arith.constant 7 : i32
      %add3A_151 = arith.addi %mul3A_149, %add3A_150 : i32
      %get3A_152 = arith.index_cast %add3A_151 : i32 to index
      %get3A_153 = arith.constant 0 : index
      %get3A_154 = tpu.vector_load %arg6[%get3A_152, %get3A_153] {strides = array<i32>} : memref<640x128xf32, #tpu.memory_space<vmem>>, vector<1x16xf32>,
      %get3A_155 = vector.shape_cast %get3A_154 : vector<1x16xf32> to vector<16xf32>
      %add3A_156 = arith.addf %add3A_147, %get3A_155 : vector<16xf32>
      %mul3A_157 = arith.constant 20 : i32
      %mul3A_158 = arith.muli %scan3A_88, %mul3A_157 : i32
      %add3A_159 = arith.constant 8 : i32
      %add3A_160 = arith.addi %mul3A_158, %add3A_159 : i32
      %get3A_161 = arith.index_cast %add3A_160 : i32 to index
      %get3A_162 = arith.constant 0 : index
      %get3A_163 = tpu.vector_load %arg6[%get3A_161, %get3A_162] {strides = array<i32>} : memref<640x128xf32, #tpu.memory_space<vmem>>, vector<1x16xf32>,
      %get3A_164 = vector.shape_cast %get3A_163 : vector<1x16xf32> to vector<16xf32>
      %add3A_165 = arith.addf %add3A_156, %get3A_164 : vector<16xf32>
      %mul3A_166 = arith.constant 20 : i32
      %mul3A_167 = arith.muli %scan3A_88, %mul3A_166 : i32
      %add3A_168 = arith.constant 9 : i32
      %add3A_169 = arith.addi %mul3A_167, %add3A_168 : i32
      %get3A_170 = arith.index_cast %add3A_169 : i32 to index
      %get3A_171 = arith.constant 0 : index
      %get3A_172 = tpu.vector_load %arg6[%get3A_170, %get3A_171] {strides = array<i32>} : memref<640x128xf32, #tpu.memory_space<vmem>>, vector<1x16xf32>,
      %get3A_173 = vector.shape_cast %get3A_172 : vector<1x16xf32> to vector<16xf32>
      %add3A_174 = arith.addf %add3A_165, %get3A_173 : vector<16xf32>
      %mul3A_175 = arith.constant 20 : i32
      %mul3A_176 = arith.muli %scan3A_88, %mul3A_175 : i32
      %add3A_177 = arith.constant 10 : i32
      %add3A_178 = arith.addi %mul3A_176, %add3A_177 : i32
      %get3A_179 = arith.index_cast %add3A_178 : i32 to index
      %get3A_180 = arith.constant 0 : index
      %get3A_181 = tpu.vector_load %arg6[%get3A_179, %get3A_180] {strides = array<i32>} : memref<640x128xf32, #tpu.memory_space<vmem>>, vector<1x16xf32>,
      %get3A_182 = vector.shape_cast %get3A_181 : vector<1x16xf32> to vector<16xf32>
      %add3A_183 = arith.addf %add3A_174, %get3A_182 : vector<16xf32>
      %mul3A_184 = arith.constant 20 : i32
      %mul3A_185 = arith.muli %scan3A_88, %mul3A_184 : i32
      %add3A_186 = arith.constant 11 : i32
      %add3A_187 = arith.addi %mul3A_185, %add3A_186 : i32
      %get3A_188 = arith.index_cast %add3A_187 : i32 to index
      %get3A_189 = arith.constant 0 : index
      %get3A_190 = tpu.vector_load %arg6[%get3A_188, %get3A_189] {strides = array<i32>} : memref<640x128xf32, #tpu.memory_space<vmem>>, vector<1x16xf32>,
      %get3A_191 = vector.shape_cast %get3A_190 : vector<1x16xf32> to vector<16xf32>
      %add3A_192 = arith.addf %add3A_183, %get3A_191 : vector<16xf32>
      %mul3A_193 = arith.constant 20 : i32
      %mul3A_194 = arith.muli %scan3A_88, %mul3A_193 : i32
      %add3A_195 = arith.constant 12 : i32
      %add3A_196 = arith.addi %mul3A_194, %add3A_195 : i32
      %get3A_197 = arith.index_cast %add3A_196 : i32 to index
      %get3A_198 = arith.constant 0 : index
      %get3A_199 = tpu.vector_load %arg6[%get3A_197, %get3A_198] {strides = array<i32>} : memref<640x128xf32, #tpu.memory_space<vmem>>, vector<1x16xf32>,
      %get3A_200 = vector.shape_cast %get3A_199 : vector<1x16xf32> to vector<16xf32>
      %add3A_201 = arith.addf %add3A_192, %get3A_200 : vector<16xf32>
      %mul3A_202 = arith.constant 20 : i32
      %mul3A_203 = arith.muli %scan3A_88, %mul3A_202 : i32
      %add3A_204 = arith.constant 13 : i32
      %add3A_205 = arith.addi %mul3A_203, %add3A_204 : i32
      %get3A_206 = arith.index_cast %add3A_205 : i32 to index
      %get3A_207 = arith.constant 0 : index
      %get3A_208 = tpu.vector_load %arg6[%get3A_206, %get3A_207] {strides = array<i32>} : memref<640x128xf32, #tpu.memory_space<vmem>>, vector<1x16xf32>,
      %get3A_209 = vector.shape_cast %get3A_208 : vector<1x16xf32> to vector<16xf32>
      %add3A_210 = arith.addf %add3A_201, %get3A_209 : vector<16xf32>
      %mul3A_211 = arith.constant 20 : i32
      %mul3A_212 = arith.muli %scan3A_88, %mul3A_211 : i32
      %add3A_213 = arith.constant 14 : i32
      %add3A_214 = arith.addi %mul3A_212, %add3A_213 : i32
      %get3A_215 = arith.index_cast %add3A_214 : i32 to index
      %get3A_216 = arith.constant 0 : index
      %get3A_217 = tpu.vector_load %arg6[%get3A_215, %get3A_216] {strides = array<i32>} : memref<640x128xf32, #tpu.memory_space<vmem>>, vector<1x16xf32>,
      %get3A_218 = vector.shape_cast %get3A_217 : vector<1x16xf32> to vector<16xf32>
      %add3A_219 = arith.addf %add3A_210, %get3A_218 : vector<16xf32>
      %mul3A_220 = arith.constant 20 : i32
      %mul3A_221 = arith.muli %scan3A_88, %mul3A_220 : i32
      %add3A_222 = arith.constant 15 : i32
      %add3A_223 = arith.addi %mul3A_221, %add3A_222 : i32
      %get3A_224 = arith.index_cast %add3A_223 : i32 to index
      %get3A_225 = arith.constant 0 : index
      %get3A_226 = tpu.vector_load %arg6[%get3A_224, %get3A_225] {strides = array<i32>} : memref<640x128xf32, #tpu.memory_space<vmem>>, vector<1x16xf32>,
      %get3A_227 = vector.shape_cast %get3A_226 : vector<1x16xf32> to vector<16xf32>
      %add3A_228 = arith.addf %add3A_219, %get3A_227 : vector<16xf32>
      %mul3A_229 = arith.constant 20 : i32
      %mul3A_230 = arith.muli %scan3A_88, %mul3A_229 : i32
      %add3A_231 = arith.constant 16 : i32
      %add3A_232 = arith.addi %mul3A_230, %add3A_231 : i32
      %get3A_233 = arith.index_cast %add3A_232 : i32 to index
      %get3A_234 = arith.constant 0 : index
      %get3A_235 = tpu.vector_load %arg6[%get3A_233, %get3A_234] {strides = array<i32>} : memref<640x128xf32, #tpu.memory_space<vmem>>, vector<1x16xf32>,
      %get3A_236 = vector.shape_cast %get3A_235 : vector<1x16xf32> to vector<16xf32>
      %add3A_237 = arith.addf %add3A_228, %get3A_236 : vector<16xf32>
      %mul3A_238 = arith.constant 20 : i32
      %mul3A_239 = arith.muli %scan3A_88, %mul3A_238 : i32
      %add3A_240 = arith.constant 17 : i32
      %add3A_241 = arith.addi %mul3A_239, %add3A_240 : i32
      %get3A_242 = arith.index_cast %add3A_241 : i32 to index
      %get3A_243 = arith.constant 0 : index
      %get3A_244 = tpu.vector_load %arg6[%get3A_242, %get3A_243] {strides = array<i32>} : memref<640x128xf32, #tpu.memory_space<vmem>>, vector<1x16xf32>,
      %get3A_245 = vector.shape_cast %get3A_244 : vector<1x16xf32> to vector<16xf32>
      %add3A_246 = arith.addf %add3A_237, %get3A_245 : vector<16xf32>
      %mul3A_247 = arith.constant 20 : i32
      %mul3A_248 = arith.muli %scan3A_88, %mul3A_247 : i32
      %add3A_249 = arith.constant 18 : i32
      %add3A_250 = arith.addi %mul3A_248, %add3A_249 : i32
      %get3A_251 = arith.index_cast %add3A_250 : i32 to index
      %get3A_252 = arith.constant 0 : index
      %get3A_253 = tpu.vector_load %arg6[%get3A_251, %get3A_252] {strides = array<i32>} : memref<640x128xf32, #tpu.memory_space<vmem>>, vector<1x16xf32>,
      %get3A_254 = vector.shape_cast %get3A_253 : vector<1x16xf32> to vector<16xf32>
      %add3A_255 = arith.addf %add3A_246, %get3A_254 : vector<16xf32>
      %mul3A_256 = arith.constant 20 : i32
      %mul3A_257 = arith.muli %scan3A_88, %mul3A_256 : i32
      %add3A_258 = arith.constant 19 : i32
      %add3A_259 = arith.addi %mul3A_257, %add3A_258 : i32
      %get3A_260 = arith.index_cast %add3A_259 : i32 to index
      %get3A_261 = arith.constant 0 : index
      %get3A_262 = tpu.vector_load %arg6[%get3A_260, %get3A_261] {strides = array<i32>} : memref<640x128xf32, #tpu.memory_space<vmem>>, vector<1x16xf32>,
      %get3A_263 = vector.shape_cast %get3A_262 : vector<1x16xf32> to vector<16xf32>
      %add3A_264 = arith.addf %add3A_255, %get3A_263 : vector<16xf32>
      %swap3A = arith.index_cast %scan3A_88 : i32 to index
      %swap3A_265 = arith.constant 0 : index
      %swap3A_266 = tpu.vector_load %arg7[%swap3A, %swap3A_265] {strides = array<i32>} : memref<32x16xf32, #tpu.memory_space<vmem>>, vector<1x16xf32>,
      %swap3A_267 = vector.shape_cast %swap3A_266 : vector<1x16xf32> to vector<16xf32>
      %swap3A_268 = vector.shape_cast %add3A_264 : vector<16xf32> to vector<1x16xf32>
      tpu.vector_store %arg7[%swap3A, %swap3A_265], %swap3A_268 {strides = array<i32>} : memref<32x16xf32, #tpu.memory_space<vmem>>, vector<1x16xf32>,
    }
    %scan3A_85 = arith.constant 32 : i32
    %mul3A_86 = arith.constant 32 : i32
    %mul3A_87 = arith.muli %add3A, %mul3A_86 : i32
    "tpu.region"() ({
      %run_scoped3A = tpu.sem_alloc : memref<!tpu.dma_semaphore, #tpu.memory_space<semaphore_mem>>
      %dma_start3A_88 = arith.constant 0 : i32
      %dma_start3A_89 = tpu.memref_slice %arg4[%mul3A_87, %dma_start3A_88] : memref<1024x16xf32, #tpu.memory_space<hbm>> -> memref<32x16xf32, #tpu.memory_space<hbm>>
      %dma_start3A_90 = arith.constant 0 : i32
      %dma_start3A_91 = tpu.memref_slice %arg4[%mul3A_87, %dma_start3A_90] : memref<1024x16xf32, #tpu.memory_space<hbm>> -> memref<32x16xf32, #tpu.memory_space<hbm>>
      tpu.enqueue_dma source(%arg7 : memref<32x16xf32, #tpu.memory_space<vmem>>) target(%dma_start3A_91 : memref<32x16xf32, #tpu.memory_space<hbm>>) target_semaphore(%run_scoped3A : memref<!tpu.dma_semaphore, #tpu.memory_space<semaphore_mem>>)
      %dma_wait3A_92 = arith.constant 0 : i32
      %dma_wait3A_93 = tpu.memref_slice %arg4[%mul3A_87, %dma_wait3A_92] : memref<1024x16xf32, #tpu.memory_space<hbm>> -> memref<32x16xf32, #tpu.memory_space<hbm>>
      %dma_wait3A_94 = arith.constant 0 : i32
      %dma_wait3A_95 = tpu.memref_slice %arg4[%mul3A_87, %dma_wait3A_94] : memref<1024x16xf32, #tpu.memory_space<hbm>> -> memref<32x16xf32, #tpu.memory_space<hbm>>
      tpu.wait_dma2 semaphore(%run_scoped3A : memref<!tpu.dma_semaphore, #tpu.memory_space<semaphore_mem>>) src(%arg7 : memref<32x16xf32, #tpu.memory_space<vmem>>) dst(%dma_wait3A_95 : memref<32x16xf32, #tpu.memory_space<hbm>>)
      tpu.yield
    }) : () -> ()
    return
  }
}

module attributes {stable_mosaic.version = 14 : i64} {
  func.func @_fused_body(%arg0: i32, %arg1: i32, %arg2: memref<17x4096xbf16, #tpu.memory_space<vmem>>, %arg3: memref<256x17xbf16, #tpu.memory_space<vmem>>, %arg4: memref<256x17xbf16, #tpu.memory_space<vmem>>, %arg5: memref<4096x256xf32, #tpu.memory_space<vmem>>, %arg6: memref<1x256xf32, #tpu.memory_space<vmem>>, %arg7: memref<1x256xf32, #tpu.memory_space<vmem>>, %arg8: memref<1x256xf32, #tpu.memory_space<vmem>>) attributes {dimension_semantics = [#tpu.dimension_semantics<arbitrary>, #tpu.dimension_semantics<arbitrary>], iteration_bounds = array<i64: 5, 25>, scalar_prefetch = 0 : i64, scratch_operands = 3 : i64, tpu.core_type = #tpu.core_type<tc>, window_params = [{transform_indices = @transform_0, window_bounds = array<i64: 17, 4096>}, {transform_indices = @transform_1, window_bounds = array<i64: 256, 17>}, {transform_indices = @transform_2, window_bounds = array<i64: 256, 17>}, {transform_indices = @transform_3, window_bounds = array<i64: 4096, 256>}]} {
    %ge3A = arith.constant 1 : i32
    %ge3A_0 = arith.cmpi sge, %arg0, %ge3A : i32
    %convert_element_type3A = arith.extui %ge3A_0 : i1 to i32
    %cond3A = arith.constant 0 : i32
    %cond3A_1 = arith.cmpi ne, %convert_element_type3A, %cond3A : i32
    scf.if %cond3A_1 {
      %get3A = arith.constant 0 : index
      %get3A_6 = arith.constant 0 : index
      %get3A_7 = vector.load %arg2[%get3A, %get3A_6] : memref<17x4096xbf16, #tpu.memory_space<vmem>>, vector<17x4096xbf16>
      %get3A_8 = arith.constant 0 : index
      %get3A_9 = arith.constant 0 : index
      %get3A_10 = vector.load %arg4[%get3A_8, %get3A_9] : memref<256x17xbf16, #tpu.memory_space<vmem>>, vector<256x17xbf16>
      %dot_general3A = arith.constant dense<0.000000e+00> : vector<4096x256xf32>
      %dot_general3A_11 = tpu.matmul %get3A_7, %get3A_10, %dot_general3A {dimension_numbers = #tpu.dot_dimension_numbers<[0], [1], [1], [0], [0, 1, 1, 0], [], []>, transpose_lhs_hint = false} : vector<17x4096xbf16>, vector<256x17xbf16>, vector<4096x256xf32> -> vector<4096x256xf32>
      %get3A_12 = arith.constant 0 : index
      %get3A_13 = arith.constant 0 : index
      %get3A_14 = vector.load %arg8[%get3A_12, %get3A_13] : memref<1x256xf32, #tpu.memory_space<vmem>>, vector<1x256xf32>
      %sub3A = vector.broadcast %get3A_14 : vector<1x256xf32> to vector<4096x256xf32>
      %sub3A_15 = arith.subf %dot_general3A_11, %sub3A : vector<4096x256xf32>
      %swap3A = arith.constant 0 : index
      %swap3A_16 = arith.constant 0 : index
      %swap3A_17 = vector.load %arg5[%swap3A, %swap3A_16] : memref<4096x256xf32, #tpu.memory_space<vmem>>, vector<4096x256xf32>
      tpu.vector_store %arg5[%swap3A, %swap3A_16], %sub3A_15 {strides = array<i32>} : memref<4096x256xf32, #tpu.memory_space<vmem>>, vector<4096x256xf32>,
    } else {
    }
    %lt3A = arith.constant 4 : i32
    %lt3A_2 = arith.cmpi slt, %arg0, %lt3A : i32
    %convert_element_type3A_3 = arith.extui %lt3A_2 : i1 to i32
    %cond3A_4 = arith.constant 0 : i32
    %cond3A_5 = arith.cmpi ne, %convert_element_type3A_3, %cond3A_4 : i32
    scf.if %cond3A_5 {
      %eq3A = arith.constant 0 : i32
      %eq3A_6 = arith.cmpi eq, %arg1, %eq3A : i32
      %convert_element_type3A_7 = arith.extui %eq3A_6 : i1 to i32
      %cond3A_8 = arith.constant 0 : i32
      %cond3A_9 = arith.cmpi ne, %convert_element_type3A_7, %cond3A_8 : i32
      scf.if %cond3A_9 {
        %broadcast_in_dim3A_38 = arith.constant 0xFF800000 : f32
        %broadcast_in_dim3A_39 = vector.broadcast %broadcast_in_dim3A_38 : f32 to vector<1x256xf32>
        %swap3A_40 = arith.constant 0 : index
        %swap3A_41 = arith.constant 0 : index
        %swap3A_42 = vector.load %arg6[%swap3A_40, %swap3A_41] : memref<1x256xf32, #tpu.memory_space<vmem>>, vector<1x256xf32>
        tpu.vector_store %arg6[%swap3A_40, %swap3A_41], %broadcast_in_dim3A_39 {strides = array<i32>} : memref<1x256xf32, #tpu.memory_space<vmem>>, vector<1x256xf32>,
        %broadcast_in_dim3A_43 = arith.constant 0.000000e+00 : f32
        %broadcast_in_dim3A_44 = vector.broadcast %broadcast_in_dim3A_43 : f32 to vector<1x256xf32>
        %swap3A_45 = arith.constant 0 : index
        %swap3A_46 = arith.constant 0 : index
        %swap3A_47 = vector.load %arg7[%swap3A_45, %swap3A_46] : memref<1x256xf32, #tpu.memory_space<vmem>>, vector<1x256xf32>
        tpu.vector_store %arg7[%swap3A_45, %swap3A_46], %broadcast_in_dim3A_44 {strides = array<i32>} : memref<1x256xf32, #tpu.memory_space<vmem>>, vector<1x256xf32>,
      } else {
      }
      %get3A = arith.constant 0 : index
      %get3A_10 = arith.constant 0 : index
      %get3A_11 = vector.load %arg2[%get3A, %get3A_10] : memref<17x4096xbf16, #tpu.memory_space<vmem>>, vector<17x4096xbf16>
      %get3A_12 = arith.constant 0 : index
      %get3A_13 = arith.constant 0 : index
      %get3A_14 = vector.load %arg3[%get3A_12, %get3A_13] : memref<256x17xbf16, #tpu.memory_space<vmem>>, vector<256x17xbf16>
      %dot_general3A = arith.constant dense<0.000000e+00> : vector<4096x256xf32>
      %dot_general3A_15 = tpu.matmul %get3A_11, %get3A_14, %dot_general3A {dimension_numbers = #tpu.dot_dimension_numbers<[0], [1], [1], [0], [0, 1, 1, 0], [], []>, transpose_lhs_hint = false} : vector<17x4096xbf16>, vector<256x17xbf16>, vector<4096x256xf32> -> vector<4096x256xf32>
      %get3A_16 = arith.constant 0 : index
      %get3A_17 = arith.constant 0 : index
      %get3A_18 = vector.load %arg6[%get3A_16, %get3A_17] : memref<1x256xf32, #tpu.memory_space<vmem>>, vector<1x256xf32>
      %reduce_max3A = arith.constant dense<0xFF800000> : vector<256xf32>
      %reduce_max3A_19 = vector.multi_reduction <maximumf>, %dot_general3A_15, %reduce_max3A [0] : vector<4096x256xf32> to vector<256xf32>
      %broadcast_in_dim3A = vector.shape_cast %reduce_max3A_19 : vector<256xf32> to vector<1x256xf32>
      %max3A = arith.maximumf %get3A_18, %broadcast_in_dim3A : vector<1x256xf32>
      %get3A_20 = arith.constant 0 : index
      %get3A_21 = arith.constant 0 : index
      %get3A_22 = vector.load %arg7[%get3A_20, %get3A_21] : memref<1x256xf32, #tpu.memory_space<vmem>>, vector<1x256xf32>
      %sub3A = arith.subf %get3A_18, %max3A : vector<1x256xf32>
      %exp3A = math.exp %sub3A : vector<1x256xf32>
      %mul3A = arith.mulf %get3A_22, %exp3A : vector<1x256xf32>
      %sub3A_23 = vector.broadcast %max3A : vector<1x256xf32> to vector<4096x256xf32>
      %sub3A_24 = arith.subf %dot_general3A_15, %sub3A_23 : vector<4096x256xf32>
      %exp3A_25 = math.exp %sub3A_24 : vector<4096x256xf32>
      %reduce_sum3A = arith.constant dense<0.000000e+00> : vector<256xf32>
      %reduce_sum3A_26 = vector.multi_reduction <add>, %exp3A_25, %reduce_sum3A [0] : vector<4096x256xf32> to vector<256xf32>
      %broadcast_in_dim3A_27 = vector.shape_cast %reduce_sum3A_26 : vector<256xf32> to vector<1x256xf32>
      %add3A = arith.addf %mul3A, %broadcast_in_dim3A_27 : vector<1x256xf32>
      %swap3A = arith.constant 0 : index
      %swap3A_28 = arith.constant 0 : index
      %swap3A_29 = vector.load %arg6[%swap3A, %swap3A_28] : memref<1x256xf32, #tpu.memory_space<vmem>>, vector<1x256xf32>
      tpu.vector_store %arg6[%swap3A, %swap3A_28], %max3A {strides = array<i32>} : memref<1x256xf32, #tpu.memory_space<vmem>>, vector<1x256xf32>,
      %swap3A_30 = arith.constant 0 : index
      %swap3A_31 = arith.constant 0 : index
      %swap3A_32 = vector.load %arg7[%swap3A_30, %swap3A_31] : memref<1x256xf32, #tpu.memory_space<vmem>>, vector<1x256xf32>
      tpu.vector_store %arg7[%swap3A_30, %swap3A_31], %add3A {strides = array<i32>} : memref<1x256xf32, #tpu.memory_space<vmem>>, vector<1x256xf32>,
      %eq3A_33 = arith.constant 24 : i32
      %eq3A_34 = arith.cmpi eq, %arg1, %eq3A_33 : i32
      %convert_element_type3A_35 = arith.extui %eq3A_34 : i1 to i32
      %cond3A_36 = arith.constant 0 : i32
      %cond3A_37 = arith.cmpi ne, %convert_element_type3A_35, %cond3A_36 : i32
      scf.if %cond3A_37 {
        %log3A = math.log %add3A : vector<1x256xf32>
        %add3A_38 = arith.addf %max3A, %log3A : vector<1x256xf32>
        %swap3A_39 = arith.constant 0 : index
        %swap3A_40 = arith.constant 0 : index
        %swap3A_41 = vector.load %arg8[%swap3A_39, %swap3A_40] : memref<1x256xf32, #tpu.memory_space<vmem>>, vector<1x256xf32>
        tpu.vector_store %arg8[%swap3A_39, %swap3A_40], %add3A_38 {strides = array<i32>} : memref<1x256xf32, #tpu.memory_space<vmem>>, vector<1x256xf32>,
      } else {
      }
    } else {
    }
    return
  }
  func.func @transform_0(%arg0: i32, %arg1: i32) -> (i32, i32) {
    %c0_i32 = arith.constant 0 : i32
    %c0_i32_0 = arith.constant 0 : i32
    return %c0_i32, %arg1 : i32, i32
  }
  func.func @transform_1(%arg0: i32, %arg1: i32) -> (i32, i32) {
    %min3A = arith.constant 3 : i32
    %min3A_0 = arith.minsi %arg0, %min3A : i32
    %c0_i32 = arith.constant 0 : i32
    %c0_i32_1 = arith.constant 0 : i32
    return %min3A_0, %c0_i32 : i32, i32
  }
  func.func @transform_2(%arg0: i32, %arg1: i32) -> (i32, i32) {
    %sub3A = arith.constant 1 : i32
    %sub3A_0 = arith.subi %arg0, %sub3A : i32
    %max3A = arith.constant 0 : i32
    %max3A_1 = arith.maxsi %sub3A_0, %max3A : i32
    %c0_i32 = arith.constant 0 : i32
    %c0_i32_2 = arith.constant 0 : i32
    return %max3A_1, %c0_i32 : i32, i32
  }
  func.func @transform_3(%arg0: i32, %arg1: i32) -> (i32, i32) {
    %ge3A = arith.constant 1 : i32
    %ge3A_0 = arith.cmpi sge, %arg0, %ge3A : i32
    %jit3A = arith.constant 0 : i32
    %select_n3A = arith.select %ge3A_0, %arg1, %jit3A : i32
    %sub3A = arith.constant 1 : i32
    %sub3A_1 = arith.subi %arg0, %sub3A : i32
    %max3A = arith.constant 0 : i32
    %max3A_2 = arith.maxsi %sub3A_1, %max3A : i32
    %c0_i32 = arith.constant 0 : i32
    return %select_n3A, %max3A_2 : i32, i32
  }
}

</mosaic_0001>

<sc_bundles>
// kernel: kernel.4.cloned.1.call-start
scs
__scs_entry_jumppad:
0x0: {  	(pc) =	sbr.rel $0x88, $3  }
0x1: {  	(tag) =	ssettag $0x0;
	lr =	simm.s32 $0x1  }
0x2: {  	[smem:$0x3F9D] =	sst lr;
	_ =	strace $0xD0000000  }
0x3: {  	_ = 	snop  }
0x4: {  	_ = 	snop  }
0x5: {  	_ = 	snop  }
0x6: {  	_ = 	snop  }
0x7: {  	_ = 	snop  }
__scs_overlays_trampoline_lowered:
0x8: {  	[smem:$0x3FAC] =	sst s0  }
0x9: {  	[smem:$0x3FAD] =	sst s1  }
0xa: {  	[smem:$0x3FAE] =	sst s2  }
0xb: {  	[smem:$0x3FAF] =	sst s3  }
0xc: {  	[smem:$0x3FB0] =	sst s4  }
0xd: {  	[smem:$0x3FB1] =	sst s5  }
0xe: {  	[smem:$0x3FB2] =	sst s6  }
0xf: {  	[smem:$0x3FB3] =	sst s7  }
0x10: {  	[smem:$0x3FB4] =	sst s8  }
0x11: {  	[smem:$0x3FB5] =	sst s9;
	s0 =	simm.s32 @!p0 $0x0  }
0x12: {  	s1 =	sld [smem:$0x3F9B];
	s0 =	simm.s32 @p0 $0x1  }
0x13: {  	[smem:$0x3FB6] =	sst s0;
	s0 =	simm.s32 @!p1 $0x0  }
0x14: {  	s2 =	sld [smem:$0x3F9A];
	s0 =	simm.s32 @p1 $0x1  }
0x15: {  	[smem:$0x3FB7] =	sst s0;
	s0 =	simm.s32 @!p2 $0x0  }
0x16: {  	s3 =	sld [smem:$0x3FDB];
	s0 =	simm.s32 @p2 $0x1  }
0x17: {  	s4 =	simm.s32 $0x1BF5;
	[smem:$0x3FB9] =	sst s0  }
0x18: {  	s0 =	sld [smem:$0x3F9C];
	_ =	swait.ge [sflag:s4], $0x0  }
0x19: {  	s7 =	sld [smem:$0x3F9D]  }
0x1a: {  	s8 =	sadd.s32 $0xFFFFE003, lr  }
0x1b: {  	s9 =	sadd.s32 $0xFFFFFEF7, lr;
	s5 =	simm.s32 $0xFFFFFFFF;
	p2 =	slt.u32 s8, $0xFFFFF086  }
0x1c: {  	p1 =	slt.u32 s9, $0xF7A;
	s5 =	simm.s32 @!p2 $0x0  }
0x1d: {  	s5 =	simm.s32 @p1 $0x1;
	p0 =	seq.s32 s7, s2  }
0x1e: {  	s7 =	smul.u32 @!p0 $0xF7A, s2;
	p2 =	seq.s32 @!p0 s5, $0x0  }
0x1f: {  	s9 =	smul.u32 $0xF7A, s1;
	s8 =	simm.s32 @!p0 $0x1BF5;
	p2 =	por !p2, p0  }
0x20: {  	[sflag:s8] =	ssyncset.s32 @!p0 $0xFFFFF086;
	s6 =	sadd.s32 @!p0 s3, s7;
	s7 =	simm.s32 @!p0 $0x108  }
0x21: {  	s3 =	sadd.s32 s3, s9;
	s6 =	sadd.s32 @!p0 $0x88, s6;
	s7 =	simm.s32 @p2 $0x1082  }
0x22: {  	[simem:s7], [sflag:s8] =	dma.local @!p0 [hbm:s6], $0xF7A  }
0x23: {  	s9 =	sor.u32 $0xD0000000, s2;
	s6 =	simm.s32 $0x108;
	_ =	swait.ge @!p0 [sflag:s8], $0x0  }
0x24: {  	s3 =	sadd.s32 $0x88, s3;
	s6 =	simm.s32 @!p1 $0x1082;
	[sflag:s4] =	ssyncset.s32 $0xFFFFF086  }
0x25: {  	[simem:s6], [sflag:s4] =	dma.local [hbm:s3], $0xF7A  }
0x26: {  	[smem:$0x3F9D] =	sst s1;
	(tag) =	ssettag s2;
	_ =	strace s9  }
0x27: {  	s1 =	sld [smem:$0x3FAD]  }
0x28: {  	s2 =	sld [smem:$0x3FAE]  }
0x29: {  	s4 =	sld [smem:$0x3FB0]  }
0x2a: {  	p0 =	seq.s32 s5, $0x0;
	s5 =	sld [smem:$0x3FB1]  }
0x2b: {  	s6 =	sld [smem:$0x3FB2]  }
0x2c: {  	s7 =	sld [smem:$0x3FB3]  }
0x2d: {  	s3 =	simm.s32 $0x108;
	s8 =	sld [smem:$0x3FB4]  }
0x2e: {  	s3 =	simm.s32 @!p0 $0x1082;
	s9 =	sld [smem:$0x3FB5]  }
0x2f: {  	lr =	sadd.s32 s0, s3;
	s0 =	sld [smem:$0x3FAC]  }
0x30: {  	s3 =	sld [smem:$0x3FAF]  }
0x31: {  	[smem:$0x3FB8] =	sst s10  }
0x32: {  	s10 =	sld [smem:$0x3FB6];
	_ =	sdelay $0x3  }
0x33: {  	p0 =	seq.s32 s10, $0x1;
	s10 =	sld [smem:$0x3FB8];
	_ =	sdelay $0x3  }
0x34: {  	[smem:$0x3FB8] =	sst s10  }
0x35: {  	s10 =	sld [smem:$0x3FB7];
	_ =	sdelay $0x3  }
0x36: {  	p1 =	seq.s32 s10, $0x1;
	s10 =	sld [smem:$0x3FB8];
	_ =	sdelay $0x3  }
0x37: {  	[smem:$0x3FB8] =	sst s10  }
0x38: {  	s10 =	sld [smem:$0x3FB9]  }
0x39: {  	_ = 	snop;
	(pc) =	sbr.ind lr, $3  }
0x3a: {  	_ = 	snop  }
0x3b: {  	_ = 	snop  }
0x3c: {  	p2 =	seq.s32 s10, $0x1;
	s10 =	sld [smem:$0x3FB8]  }
0x3d: {  	_ =	shalt  }
0x3e: {  	_ =	shalt  }
0x3f: {  	_ =	shalt  }
0x40: {  	_ =	shalt  }
0x41: {  	_ =	shalt  }
0x42: {  	_ =	shalt  }
0x43: {  	_ =	shalt  }
0x44: {  	_ =	shalt  }
0x45: {  	_ =	shalt  }
0x46: {  	_ =	shalt  }
0x47: {  	_ =	shalt  }
0x48: {  	_ =	shalt  }
0x49: {  	_ =	shalt  }
0x4a: {  	_ =	shalt  }
0x4b: {  	_ =	shalt  }
0x4c: {  	_ =	shalt  }
0x4d: {  	_ =	shalt  }
0x4e: {  	_ =	shalt  }
0x4f: {  	_ =	shalt  }
0x50: {  	_ =	shalt  }
0x51: {  	_ =	shalt  }
0x52: {  	_ =	shalt  }
0x53: {  	_ =	shalt  }
0x54: {  	_ =	shalt  }
0x55: {  	_ =	shalt  }
0x56: {  	_ =	shalt  }
0x57: {  	_ =	shalt  }
0x58: {  	_ =	shalt  }
0x59: {  	_ =	shalt  }
0x5a: {  	_ =	shalt  }
0x5b: {  	_ =	shalt  }
0x5c: {  	_ =	shalt  }
0x5d: {  	_ =	shalt  }
0x5e: {  	_ =	shalt  }
0x5f: {  	_ =	shalt  }
0x60: {  	_ =	shalt  }
0x61: {  	_ =	shalt  }
0x62: {  	_ =	shalt  }
0x63: {  	_ =	shalt  }
0x64: {  	_ =	shalt  }
0x65: {  	_ =	shalt  }
0x66: {  	_ =	shalt  }
0x67: {  	_ =	shalt  }
0x68: {  	_ =	shalt  }
0x69: {  	_ =	shalt  }
0x6a: {  	_ =	shalt  }
0x6b: {  	_ =	shalt  }
0x6c: {  	_ =	shalt  }
0x6d: {  	_ =	shalt  }
0x6e: {  	_ =	shalt  }
0x6f: {  	_ =	shalt  }
0x70: {  	_ =	shalt  }
0x71: {  	_ =	shalt  }
0x72: {  	_ =	shalt  }
0x73: {  	_ =	shalt  }
0x74: {  	_ =	shalt  }
0x75: {  	_ =	shalt  }
0x76: {  	_ =	shalt  }
0x77: {  	_ =	shalt  }
0x78: {  	_ =	shalt  }
0x79: {  	_ =	shalt  }
0x7a: {  	_ =	shalt  }
0x7b: {  	_ =	shalt  }
0x7c: {  	_ =	shalt  }
0x7d: {  	_ =	shalt  }
0x7e: {  	_ =	shalt  }
0x7f: {  	_ =	shalt  }
0x80: {  	_ =	shalt  }
0x81: {  	_ =	shalt  }
0x82: {  	_ =	shalt  }
0x83: {  	_ =	shalt  }
0x84: {  	_ =	shalt  }
0x85: {  	_ =	shalt  }
0x86: {  	_ =	shalt  }
0x87: {  	_ =	shalt  }
.Lfunc_end0:
.L_simem_size_0:
called_computation_lowered:
.L_overlay_start_0:
0x88: {  	s2 =	sld [smem:$0x3FD9]  }
0x89: {  	s3 =	sld [smem:$0x3FFE];
	_ =	sdelay $0x1  }
0x8a: {  	s1 =	srdreg.scid  }
0x8b: {  	s0 =	sand.u32 $0x1, s1  }
0x8c: {  	s17 =	sshll.u32 s0, $0xA;
	s2 =	sadd.s32 s3, s2  }
0x8d: {  	s2 =	sadd.s32 s2, s17  }
0x8e: {  	[smem:$0x3FC4] =	sst s2  }
0x8f: {  	_ = 	snop  }
0x90: {  	s2 =	sld [smem:$0x3FD0];
	(tm) =	ssettm $0x1  }
0x91: {  	s18 =	sld [smem:$0x3FFB];
	_ =	sdelay $0x3  }
0x92: {  	_ =	strace s18  }
0x93: {  	s3 =	sld [smem:$0x3FFC];
	_ =	sdelay $0x3  }
0x94: {  	_ =	strace s3  }
0x95: {  	s3 =	sld [smem:$0x3FFD];
	_ =	sdelay $0x3  }
0x96: {  	_ =	strace s3  }
0x97: {  	_ =	strace $0x8FFFFFFF  }
0x98: {  	s19 =	sld [smem:$0x3FDB];
	_ =	sdelay $0x1  }
0x99: {  	s4 =	simm.s32 $_scs_section_size  }
0x9a: {  	s5 =	simm.s32 $_size__tile_overlayer_lowered;
	s6 =	simm.s32 $_tile_overlayer_lowered  }
0x9b: {  	s22 =	simm.s32 $0x1BFF;
	s21 =	sshll.u32 s6, $0x1;
	s3 =	sadd.s32 s4, s19  }
0x9c: {  	s7 =	simm.s32 $0x0;
	s20 =	sshll.u32 s5, $0x1;
	s5 =	sadd.s32 s21, s3  }
0x9d: {  	[timem:s7], [sflag:s22] =	dma.local [hbm:s5], s20  }
0x9e: {  	_ =	swait.ge [sflag:s22], s20  }
0x9f: {  	s4 =	ssub.s32 $0x0, s20;
	[sflag:s22] =	ssyncset.done $0x0  }
0xa0: {  	[sflag:s22] =	ssyncadd.s32 s4;
	_ =	sdelay $0x1  }
0xa1: {  	s23 =	simm.s32 $0x1B8B  }
0xa2: {  	_ =	swait.ge [sflag:s23], $0x1  }
0xa3: {  	[sflag:s23] =	ssyncset.done $0x0  }
0xa4: {  	s25 =	simm.s32 $0x1B8E;
	s24 =	sld [smem:$0x3FFE];
	[sflag:s23] =	ssyncadd.s32 $0xFFFFFFFF  }
0xa5: {  	s26 =	simm.s32 $execute0_lowered;
	[smem:$0x3FD2] =	sst s25  }
0xa6: {  	s5 =	sshll.u32 s26, $0x1;
	_ =	strace $0x80000046;
	[dreg:$0x1] =	wrdreg $0xFFFFFFFF  }
0xa7: {  	s28 =	simm.s32 $_size_execute0_lowered;
	s3 =	sadd.s32 s3, s5;
	[dreg:$0x0] =	wrdreg $0x0  }
0xa8: {  	s5 =	sshll.u32 s28, $0x1;
	[dreg:$0x2] =	wrdreg s3  }
0xa9: {  	[dreg:$0x3] =	wrdreg s5  }
0xaa: {  	[dreg:$0x4] =	wrdreg $0xC0  }
0xab: {  	_ =	task [dreg:s7], $0x5FFFF  }
0xac: {  	[dreg:$0x1] =	wrdreg $0xFFFFFFFF  }
0xad: {  	[dreg:$0x0] =	wrdreg $0x60  }
0xae: {  	[dreg:$0x2] =	wrdreg s24  }
0xaf: {  	[dreg:$0x3] =	wrdreg s2  }
0xb0: {  	[dreg:$0x4] =	wrdreg $0x9  }
0xb1: {  	_ =	task.clear_ibuf [dreg:s7], $0x5FFFF;
	_ =	strace $0x90000046  }
0xb2: {  	s29 =	simm.s32 $0x9;
	_ =	strace $0x80000048  }
0xb3: {  	_ =	swait.ge [sflag:s29], $0x1  }
0xb4: {  	[sflag:s29] =	ssyncadd.s32 $0xFFFFFFFF  }
0xb5: {  	_ =	strace $0x90000048  }
0xb6: {  	_ =	sfence  }
0xb7: {  	s30 =	sld [smem:$0x0];
	_ =	sdelay $0x2  }
0xb8: {  	s31 =	sshll.u32 s1, $0xD;
	s1 =	sshrl.u32 s1, $0x2  }
0xb9: {  	s3 =	sand.u32 $0x4000, s31;
	s1 =	sadd.s32 s1, s30  }
0xba: {  	s0 =	sor.u32 s3, s0;
	s1 =	sshll.u32 s1, $0x11  }
0xbb: {  	s0 =	sor.u32 s1, s0  }
0xbc: {  	s0 =	sadd.s32 $0x8F2B, s0  }
0xbd: {  	[sflag:s0] =	ssyncadd.remote.s32 $0x1  }
0xbe: {  	_ =	sfence.sel $0xFFFF  }
0xbf: {  	[dreg:$0x0] =	wrdreg $0xFFFFFFFF;
	(pc) =	sbr.abs _section_cstart, $3  }
0xc0: {  	[dreg:$0x1] =	wrdreg $0xFFFFFFFF  }
0xc1: {  	_ =	task.clear_ibuf [dreg:s7], $0x2FFFF;
	_ =	strace $0x9FFFFFFF  }
0xc2: {  	(tm) =	ssettm $0x7FFFFFFF  }
0xc3: {  	_ =	shalt  }
tec
execute0_lowered:
.L_overlay_start_1:
0x0: {  	(tag) =	ssettag $0x1  }
0x1: {  	s3 =	rddreg [dreg:$0x0];
	s1 =	srdreg.scid  }
0x2: {  	s0 =	stileid.u32;
	s5 =	rddreg [dreg:$0x1]  }
0x3: {  	s2 =	simm.s32 $0x0;
	s9 =	simm.s32 $0x280;
	s10 =	simm.s32 $0x4280  }
0x4: {  	s11 =	simm.s32 $0x100;
	s12 =	simm.s32 $0x8280;
	s13 =	simm.s32 $0x180  }
0x5: {  	s14 =	simm.s32 $0xC280;
	s15 =	simm.s32 $0x200;
	s16 =	simm.s32 $0x10280  }
0x6: {  	s17 =	simm.s32 $0x1;
	s18 =	simm.s32 $0x14280;
	s19 =	simm.s32 $0x0  }
0x7: {  	s4 =	sand.u32 $0x1, s1;
	s6 =	sshll.u32 s0, $0x1;
	s1 =	rddreg [dreg:$0x2]  }
0x8: {  	[smem:$0x7FF] =	sst s2;
	s6 =	sor.u32 s4, s6;
	s4 =	ssub.s32 $0x2, s4  }
0x9: {  	s7 =	smul.u32 $0x50, s6;
	s8 =	sshrl.u32 s4, $0x1;
	s6 =	sshll.u32 s6, $0x6  }
0xa: {  	_ =	strace $0x80000047;
	s8 =	ssub.s32 s4, s8;
	s5 =	sadd.s32 s5, s6  }
0xb: {  	s7 =	sadd.s32 s7, s3;
	s3 =	sadd.s32 $0x1800, s3;
	s6 =	smax.u32 s8, $0x1  }
0xc: {  	s8 =	simm.s32 $0x80;
	s4 =	sadd.s32 $0xE00, s7;
	s7 =	simm.s32 $0x2  }
.LBB2_1:
0xd: {  	[tilespmem:s2], [sflag:$0x2] =	stream.linear.gather [hbm4b:s4+s2], $0x280, $0x38;
	[tilespmem:$0x14480] =	vst v63  }
0xe: {  	_ =	swait.ge [sflag:s7], $0x280  }
0xf: {  	[sflag:s7] =	ssyncset.done $0x0  }
0x10: {  	[sflag:s7] =	ssyncadd.s32 $0xFFFFFD80  }
0x11: {  	[tilespmem:s9], [sflag:$0x1] =	stream.indirect.gather [hbm4b:s3+s8], $0x80, s2, s8, $0xb8;
	[tilespmem:$0x14480] =	vst v63  }
0x12: {  	_ = 	snop  }
0x13: {  	[tilespmem:s10], [sflag:$0x1] =	stream.indirect.gather [hbm4b:s3+s8], $0x80, s8, s8, $0xb8;
	[tilespmem:$0x14480] =	vst v63  }
0x14: {  	_ = 	snop  }
0x15: {  	[tilespmem:s12], [sflag:$0x1] =	stream.indirect.gather [hbm4b:s3+s8], $0x80, s11, s8, $0xb8;
	[tilespmem:$0x14480] =	vst v63  }
0x16: {  	_ = 	snop  }
0x17: {  	[tilespmem:s14], [sflag:$0x1] =	stream.indirect.gather [hbm4b:s3+s8], $0x80, s13, s8, $0xb8;
	[tilespmem:$0x14480] =	vst v63  }
0x18: {  	_ = 	snop  }
0x19: {  	[tilespmem:s16], [sflag:$0x1] =	stream.indirect.gather [hbm4b:s3+s8], $0x80, s15, s8, $0xb8;
	[tilespmem:$0x14480] =	vst v63  }
0x1a: {  	_ =	swait.ge [sflag:s17], $0x4000  }
0x1b: {  	[sflag:s17] =	ssyncset.done $0x0  }
0x1c: {  	[sflag:s17] =	ssyncadd.s32 $0xFFFFC000  }
0x1d: {  	_ =	swait.ge [sflag:s17], $0x4000  }
0x1e: {  	[sflag:s17] =	ssyncset.done $0x0  }
0x1f: {  	[sflag:s17] =	ssyncadd.s32 $0xFFFFC000  }
0x20: {  	_ =	swait.ge [sflag:s17], $0x4000  }
0x21: {  	[sflag:s17] =	ssyncset.done $0x0  }
0x22: {  	[sflag:s17] =	ssyncadd.s32 $0xFFFFC000  }
0x23: {  	_ =	swait.ge [sflag:s17], $0x4000  }
0x24: {  	[sflag:s17] =	ssyncset.done $0x0  }
0x25: {  	[sflag:s17] =	ssyncadd.s32 $0xFFFFC000  }
0x26: {  	_ =	swait.ge [sflag:s17], $0x4000  }
0x27: {  	[sflag:s17] =	ssyncset.done $0x0  }
0x28: {  	s20 =	simm.s32 $0x780;
	[sflag:s17] =	ssyncadd.s32 $0xFFFFC000  }
0x29: {  	v0 =	vld [tilespmem:s20+$0xFFFFFB80]  }
0x2a: {  	s22 =	simm.s32 $0x40;
	s21 =	simm.s32 $0x0;
	v1 =	vld [tilespmem:s20+$0xFFFFFB00]  }
.LBB2_2:
0x2b: {  	p0 =	sne.s32 s22, $0x7C0  }
0x2c: {  	v2 =	vld [tilespmem:s20+$0xFFFFFC00];
	_ =	sdelay $0x1  }
0x2d: {  	v3 =	vld [tilespmem:s20+$0xFFFFFC80]  }
0x2e: {  	v0 =	vadd.f32 v0, v1  }
0x2f: {  	v1 =	vld [tilespmem:s20+$0xFFFFFD00]  }
0x30: {  	v0 =	vadd.f32 v2, v0  }
0x31: {  	v2 =	vld [tilespmem:s20+$0xFFFFFD80]  }
0x32: {  	v0 =	vadd.f32 v3, v0  }
0x33: {  	v3 =	vld [tilespmem:s20+$0xFFFFFE00]  }
0x34: {  	v0 =	vadd.f32 v1, v0  }
0x35: {  	v1 =	vld [tilespmem:s20+$0xFFFFFE80]  }
0x36: {  	v0 =	vadd.f32 v2, v0  }
0x37: {  	v2 =	vld [tilespmem:s20+$0xFFFFFF00]  }
0x38: {  	v0 =	vadd.f32 v3, v0  }
0x39: {  	v3 =	vld [tilespmem:s20+$0xFFFFFF80]  }
0x3a: {  	v0 =	vadd.f32 v1, v0  }
0x3b: {  	v1 =	vld [tilespmem:s20+$0x0]  }
0x3c: {  	v0 =	vadd.f32 v2, v0  }
0x3d: {  	v2 =	vld [tilespmem:s20+$0x80]  }
0x3e: {  	v0 =	vadd.f32 v3, v0  }
0x3f: {  	v3 =	vld [tilespmem:s20+$0x100]  }
0x40: {  	v0 =	vadd.f32 v1, v0  }
0x41: {  	v1 =	vld [tilespmem:s20+$0x180]  }
0x42: {  	v0 =	vadd.f32 v2, v0  }
0x43: {  	v2 =	vld [tilespmem:s20+$0x200]  }
0x44: {  	v0 =	vadd.f32 v3, v0  }
0x45: {  	v3 =	vld [tilespmem:s20+$0x280]  }
0x46: {  	v0 =	vadd.f32 v1, v0  }
0x47: {  	v1 =	vld [tilespmem:s20+$0x300]  }
0x48: {  	v0 =	vadd.f32 v2, v0  }
0x49: {  	v2 =	vld [tilespmem:s20+$0x380]  }
0x4a: {  	v0 =	vadd.f32 v3, v0  }
0x4b: {  	v3 =	vld [tilespmem:s20+$0x400]  }
0x4c: {  	v0 =	vadd.f32 v1, v0  }
0x4d: {  	v1 =	vld [tilespmem:s20+$0x480]  }
0x4e: {  	v0 =	vadd.f32 v2, v0;
	_ =	sdelay $0x1  }
0x4f: {  	v0 =	vadd.f32 v3, v0;
	_ =	sdelay $0x1  }
.Ltmp0:
0x50: {  	v0 =	vadd.f32 v1, v0;
	(pc) =	sbr.rel @p0 .LBB2_2-.Ltmp0, $4  }
0x51: {  	s23 =	sshra.s32 s21, $0x2;
	s21 =	smov.u32 s22  }
0x52: {  	s20 =	sadd.s32 $0xA00, s20;
	[tilespmem:s23+$0x14280] =	vst v0  }
0x53: {  	v0 =	vld [tilespmem:s20+$0xFFFFFB80]  }
0x54: {  	s22 =	sadd.s32 $0x40, s22;
	v1 =	vld [tilespmem:s20+$0xFFFFFB00]  }
0x55: {  	_ = 	snop  }
0x56: {  	v2 =	vld [tilespmem:s20+$0xFFFFFC00];
	_ =	sdelay $0x1  }
0x57: {  	v3 =	vld [tilespmem:s20+$0xFFFFFC80]  }
0x58: {  	v0 =	vadd.f32 v0, v1  }
0x59: {  	v48 =	vld [tilespmem:s20+$0xFFFFFD00]  }
0x5a: {  	v0 =	vadd.f32 v2, v0  }
0x5b: {  	v49 =	vld [tilespmem:s20+$0xFFFFFD80]  }
0x5c: {  	v0 =	vadd.f32 v3, v0  }
0x5d: {  	v50 =	vld [tilespmem:s20+$0xFFFFFE00]  }
0x5e: {  	v0 =	vadd.f32 v48, v0  }
0x5f: {  	v51 =	vld [tilespmem:s20+$0xFFFFFE80]  }
0x60: {  	v0 =	vadd.f32 v49, v0  }
0x61: {  	v52 =	vld [tilespmem:s20+$0xFFFFFF00]  }
0x62: {  	v0 =	vadd.f32 v50, v0  }
0x63: {  	v53 =	vld [tilespmem:s20+$0xFFFFFF80]  }
0x64: {  	v0 =	vadd.f32 v51, v0  }
0x65: {  	v54 =	vld [tilespmem:s20+$0x0]  }
0x66: {  	v0 =	vadd.f32 v52, v0  }
0x67: {  	v55 =	vld [tilespmem:s20+$0x80]  }
0x68: {  	v0 =	vadd.f32 v53, v0  }
0x69: {  	v56 =	vld [tilespmem:s20+$0x100]  }
0x6a: {  	v0 =	vadd.f32 v54, v0  }
0x6b: {  	v57 =	vld [tilespmem:s20+$0x180]  }
0x6c: {  	v0 =	vadd.f32 v55, v0  }
0x6d: {  	v58 =	vld [tilespmem:s20+$0x200]  }
0x6e: {  	v0 =	vadd.f32 v56, v0  }
0x6f: {  	v59 =	vld [tilespmem:s20+$0x280]  }
0x70: {  	v0 =	vadd.f32 v57, v0  }
0x71: {  	v60 =	vld [tilespmem:s20+$0x300]  }
0x72: {  	v0 =	vadd.f32 v58, v0  }
0x73: {  	v61 =	vld [tilespmem:s20+$0x380]  }
0x74: {  	v0 =	vadd.f32 v59, v0  }
0x75: {  	v62 =	vld [tilespmem:s20+$0x400]  }
0x76: {  	v0 =	vadd.f32 v60, v0  }
0x77: {  	v63 =	vld [tilespmem:s20+$0x480]  }
0x78: {  	v0 =	vadd.f32 v61, v0;
	_ =	sdelay $0x1  }
0x79: {  	v0 =	vadd.f32 v62, v0;
	_ =	sdelay $0x1  }
0x7a: {  	s19 =	sadd.s32 $0x1, s19;
	v0 =	vadd.f32 v63, v0  }
0x7b: {  	s31 =	sshra.s32 s21, $0x2;
	p0 =	sne.s32 s19, s6  }
.Ltmp1:
0x7c: {  	[tilespmem:s31+$0x14280] =	vst v0;
	(pc) =	sbr.rel @p0 .LBB2_1-.Ltmp1, $4  }
0x7d: {  	[hbm4b:s5+s2] =	stream.linear.scatter [tilespmem:s18], [sflag:$0x2], $0x200, $0x38;
	[tilespmem:$0x14480] =	vst v63  }
0x7e: {  	_ =	swait.ge [sflag:s7], $0x200  }
0x7f: {  	[sflag:s7] =	ssyncset.done $0x0  }
0x80: {  	[sflag:s7] =	ssyncadd.s32 $0xFFFFFE00  }
0x81: {  	_ =	sfence.sel $0x180000  }
0x82: {  	[bflag:$0x0] =	sbarrier.arrive $0xFFFF  }
0x83: {  	p0 =	sne.s32 s0, $0x0;
	_ =	strace $0x90000047  }
0x84: {  	s0 =	sadd.s32 @!p0 $0x100000, s1;
	[bflag:$0x2] =	sbarrier.arrive $0xFFFF  }
0x85: {  	[sflag:s0] =	ssyncadd.tile.s32 @!p0 $0x1;
	_ =	shalt  }
.Lfunc_end2:
_tile_overlayer_lowered:
.L_overlay_start_2:
0x86: {  	(tag) =	ssettag $0x2  }
0x87: {  	s0 =	rddreg [dreg:$0x0];
	s2 =	stileid.u32  }
0x88: {  	s1 =	rddreg [dreg:$0x1];
	p0 =	sne.s32 s2, $0x0  }
0x89: {  	s3 =	rddreg [dreg:$0x2];
	[bflag:$0x3] =	sbarrier.arrive $0xFFFF;
	s2 =	simm.s32 @!p0 $0x1C02  }
0x8a: {  	[timem:s3], [sflag:s2] =	dma.local @!p0 [hbm:s0], s1  }
0x8b: {  	s0 =	simm.s32 @!p0 $0x2  }
0x8c: {  	_ =	swait.ge @!p0 [sflag:s0], s1  }
0x8d: {  	s1 =	ssub.s32 @!p0 $0x0, s1;
	[sflag:s0] =	ssyncset.done @!p0 $0x0  }
0x8e: {  	[sflag:s0] =	ssyncadd.s32 @!p0 s1  }
0x8f: {  	[bflag:$0x3] =	sbarrier.arrive $0xFFFF  }
0x90: {  	_ =	shalt  }

</sc_bundles>
